<compile_context>
chip_gen: v7x
topology: tpu7x:2x2x1
jax: 0.10.2.dev20260603
libtpu: 0.0.44.dev20260713+nightly
codegen_flags: <defaults>
</compile_context>

<pallas_src>
import functools

import jax
import jax.numpy as jnp
from jax import lax
from jax.experimental import pallas as pl
from jax.experimental.pallas import tpu as pltpu
from jax.experimental.pallas import tpu_sc as plsc

_B = 128
_N = 32
_LANES = 16
_PS = 16
_RW = 8
_NW = _B // _RW


def _sc_body(mask_hbm, seq_hbm, out_hbm, mask_v, seq_v, acc_v, sem_m, sem_s):
    wid = lax.axis_index("s")
    base = wid * _RW

    cp_m = pltpu.async_copy(mask_hbm.at[pl.ds(base, _RW)], mask_v, sem_m)
    cp_s = pltpu.async_copy(seq_hbm.at[pl.ds(base, _RW)], seq_v, sem_s)
    cp_m.wait()
    cp_s.wait()

    lane = lax.iota(jnp.int32, _LANES)
    lrow = lax.rem(lane, _RW)
    colbase = (lane // _RW) * (_N // 2)

    seq = plsc.load_gather(seq_v, [lrow])

    acc = jnp.zeros((_LANES,), jnp.int32)
    for j in range(_N // 2):
        acc = acc + plsc.load_gather(mask_v, [lrow, colbase + j])

    acc_v[...] = acc
    nt = acc + plsc.load_gather(acc_v, [lax.rem(lane + _RW, _LANES)])

    num_false = _N - nt
    n = seq + num_false - 1 + _PS
    start = (n & ~(_PS - 1)) - _PS - seq
    start_c = jnp.maximum(start, 0)
    end = jnp.minimum(start + _PS, _N)

    zeros = jnp.zeros((_LANES,), jnp.int32)
    for j in range(_N // 2):
        col = colbase + j
        wm = (col >= start_c) & (col < end)
        plsc.store_scatter(mask_v, [lrow, col], zeros, mask=wm)

    pltpu.sync_copy(mask_v, out_hbm.at[pl.ds(base, _RW)])


_sc_kernel = functools.partial(
    pl.kernel,
    out_type=jax.ShapeDtypeStruct((_B, _N), jnp.int32),
    mesh=plsc.VectorSubcoreMesh(
        core_axis_name="c", subcore_axis_name="s", num_cores=1
    ),
    scratch_types=[
        pltpu.VMEM((_RW, _N), jnp.int32),
        pltpu.VMEM((_RW,), jnp.int32),
        pltpu.VMEM((_LANES,), jnp.int32),
        pltpu.SemaphoreType.DMA,
        pltpu.SemaphoreType.DMA,
    ],
    compiler_params=pltpu.CompilerParams(needs_layout_passes=False),
)(_sc_body)


def kernel(seq_lens, evict_mask, page_size):
    seq = seq_lens.astype(jnp.int32)
    mask_i32 = evict_mask.astype(jnp.int32)
    out = _sc_kernel(mask_i32, seq)
    return out.astype(jnp.bool_)

# --- scband reference (transcript-rebuilt; emitter-appended) ---
"""Pipeline reference for scband-model-87333864997452 (READ-ONLY COPY).

The authoritative reference and input builder live on the scoring server;
editing this copy changes nothing except your own understanding.
"""

import jax, jax.numpy as jnp
import numpy as np

def setup_inputs(seed: int = 0) -> dict:
    key = jax.random.key(seed)
    k1, k2 = jax.random.split(key)
    seq_lens = jax.random.randint(k1, (128,), 0, 8192, dtype=jnp.int64) if jax.config.jax_enable_x64 else jax.random.randint(k1, (128,), 0, 8192, dtype=jnp.int32)
    evict_mask = jax.random.randint(k2, (128, 32), 0, 2, dtype=jnp.int32).astype(jnp.bool_)
    return {"seq_lens": seq_lens, "evict_mask": evict_mask, "page_size": 16}

def reference(seq_lens, evict_mask, page_size):
    # Faithful translation of align_evict_mask_to_page_size_kernel.
    # For each row: count trues, compute page-aligned window [start, start+page_size)
    # relative to seq_len, and overwrite (scatter-set) that window of the mask to False.
    B, num_draft_tokens = evict_mask.shape
    seq_lens = seq_lens.astype(jnp.int32)
    num_trues = jnp.sum(evict_mask.astype(jnp.int32), axis=1)  # [B]
    num_false = num_draft_tokens - num_trues                    # [B]
    start = (seq_lens + num_false - 1) // page_size * page_size - seq_lens  # [B]
    start_clamped = jnp.maximum(start, 0)                       # [B]
    end = jnp.minimum(start + page_size, num_draft_tokens)      # [B] (uses unclamped start, as in kernel)
    t_range = jnp.arange(num_draft_tokens, dtype=jnp.int32)     # [N]
    range_mask = (t_range[None, :] >= start_clamped[:, None]) & (t_range[None, :] < end[:, None])
    out = jnp.where(range_mask, jnp.bool_(False), evict_mask)
    return out

if __name__ == "__main__":
    import jax
    _d = setup_inputs()
    print(jax.jit(kernel)(*tuple(_d.values())))

</pallas_src>

<mosaic_0001>
#map = affine_map<(d0, d1) -> (0, 0)>
#map1 = affine_map<(d0, d1) -> (0)>
module attributes {stable_mosaic.version = 14 : i64} {
  func.func @_sc_body(%arg0: i32, %arg1: i32, %arg2: memref<128x32xi32, #tpu.memory_space<hbm>>, %arg3: memref<128xi32, #tpu.memory_space<hbm>>, %arg4: memref<128x32xi32, #tpu.memory_space<hbm>>, %arg5: memref<8x32xi32, #tpu.memory_space<vmem>>, %arg6: memref<8xi32, #tpu.memory_space<vmem>>, %arg7: memref<16xi32, #tpu.memory_space<vmem>>, %arg8: memref<!tpu.dma_semaphore, #tpu.memory_space<semaphore_mem>>, %arg9: memref<!tpu.dma_semaphore, #tpu.memory_space<semaphore_mem>>) attributes {dimension_semantics = [#tpu.dimension_semantics<core_parallel>, #tpu.dimension_semantics<subcore_parallel>], iteration_bounds = array<i64: 1, 16>, scalar_prefetch = 0 : i64, scratch_operands = 5 : i64, tpu.core_type = #tpu.core_type<sc_vector_subcore>, window_params = [{transform_indices = #map}, {transform_indices = #map1}, {transform_indices = #map}]} {
    %mul3A = arith.constant 8 : i32
    %mul3A_0 = arith.muli %arg1, %mul3A : i32
    %dma_start3A = arith.constant 0 : i32
    %dma_start3A_1 = tpu.memref_slice %arg2[%mul3A_0, %dma_start3A] : memref<128x32xi32, #tpu.memory_space<hbm>> -> memref<8x32xi32, #tpu.memory_space<hbm>>
    %dma_start3A_2 = arith.constant 0 : i32
    %dma_start3A_3 = tpu.memref_slice %arg2[%mul3A_0, %dma_start3A_2] : memref<128x32xi32, #tpu.memory_space<hbm>> -> memref<8x32xi32, #tpu.memory_space<hbm>>
    tpu.enqueue_dma source(%dma_start3A_3 : memref<8x32xi32, #tpu.memory_space<hbm>>) target(%arg5 : memref<8x32xi32, #tpu.memory_space<vmem>>) target_semaphore(%arg8 : memref<!tpu.dma_semaphore, #tpu.memory_space<semaphore_mem>>)
    %dma_start3A_4 = tpu.memref_slice %arg3[%mul3A_0] : memref<128xi32, #tpu.memory_space<hbm>> -> memref<8xi32, #tpu.memory_space<hbm>>
    %dma_start3A_5 = tpu.memref_slice %arg3[%mul3A_0] : memref<128xi32, #tpu.memory_space<hbm>> -> memref<8xi32, #tpu.memory_space<hbm>>
    tpu.enqueue_dma source(%dma_start3A_5 : memref<8xi32, #tpu.memory_space<hbm>>) target(%arg6 : memref<8xi32, #tpu.memory_space<vmem>>) target_semaphore(%arg9 : memref<!tpu.dma_semaphore, #tpu.memory_space<semaphore_mem>>)
    %dma_wait3A = arith.constant 0 : i32
    %dma_wait3A_6 = tpu.memref_slice %arg2[%mul3A_0, %dma_wait3A] : memref<128x32xi32, #tpu.memory_space<hbm>> -> memref<8x32xi32, #tpu.memory_space<hbm>>
    %dma_wait3A_7 = arith.constant 0 : i32
    %dma_wait3A_8 = tpu.memref_slice %arg2[%mul3A_0, %dma_wait3A_7] : memref<128x32xi32, #tpu.memory_space<hbm>> -> memref<8x32xi32, #tpu.memory_space<hbm>>
    tpu.wait_dma2 semaphore(%arg8 : memref<!tpu.dma_semaphore, #tpu.memory_space<semaphore_mem>>) src(%dma_wait3A_8 : memref<8x32xi32, #tpu.memory_space<hbm>>) dst(%arg5 : memref<8x32xi32, #tpu.memory_space<vmem>>)
    %dma_wait3A_9 = tpu.memref_slice %arg3[%mul3A_0] : memref<128xi32, #tpu.memory_space<hbm>> -> memref<8xi32, #tpu.memory_space<hbm>>
    %dma_wait3A_10 = tpu.memref_slice %arg3[%mul3A_0] : memref<128xi32, #tpu.memory_space<hbm>> -> memref<8xi32, #tpu.memory_space<hbm>>
    tpu.wait_dma2 semaphore(%arg9 : memref<!tpu.dma_semaphore, #tpu.memory_space<semaphore_mem>>) src(%dma_wait3A_10 : memref<8xi32, #tpu.memory_space<hbm>>) dst(%arg6 : memref<8xi32, #tpu.memory_space<vmem>>)
    %iota3A = tpu.iota {dimensions = array<i32: 0>} : vector<16xi32>
    %rem3A = arith.constant 8 : i32
    %rem3A_11 = vector.broadcast %rem3A : i32 to vector<16xi32>
    %rem3A_12 = arith.remsi %iota3A, %rem3A_11 : vector<16xi32>
    %jit3A = arith.constant 8 : i32
    %div3A = vector.broadcast %jit3A : i32 to vector<16xi32>
    %div3A_13 = arith.divsi %iota3A, %div3A : vector<16xi32>
    %sign3A = arith.constant 0 : i32
    %sign3A_14 = vector.broadcast %sign3A : i32 to vector<16xi32>
    %sign3A_15 = arith.cmpi sgt, %iota3A, %sign3A_14 : vector<16xi32>
    %sign3A_16 = arith.extui %sign3A_15 : vector<16xi1> to vector<16xi32>
    %sign3A_17 = arith.constant 0 : i32
    %sign3A_18 = vector.broadcast %sign3A_17 : i32 to vector<16xi32>
    %sign3A_19 = arith.cmpi slt, %iota3A, %sign3A_18 : vector<16xi32>
    %sign3A_20 = arith.extui %sign3A_19 : vector<16xi1> to vector<16xi32>
    %sign3A_21 = arith.subi %sign3A_16, %sign3A_20 : vector<16xi32>
    %sign3A_22 = arith.constant 0 : i32
    %sign3A_23 = arith.cmpi sgt, %jit3A, %sign3A_22 : i32
    %sign3A_24 = arith.extui %sign3A_23 : i1 to i32
    %sign3A_25 = arith.constant 0 : i32
    %sign3A_26 = arith.cmpi slt, %jit3A, %sign3A_25 : i32
    %sign3A_27 = arith.extui %sign3A_26 : i1 to i32
    %sign3A_28 = arith.subi %sign3A_24, %sign3A_27 : i32
    %ne3A = vector.broadcast %sign3A_28 : i32 to vector<16xi32>
    %ne3A_29 = arith.cmpi ne, %sign3A_21, %ne3A : vector<16xi32>
    %rem3A_30 = vector.broadcast %jit3A : i32 to vector<16xi32>
    %rem3A_31 = arith.remsi %iota3A, %rem3A_30 : vector<16xi32>
    %ne3A_32 = arith.constant 0 : i32
    %ne3A_33 = vector.broadcast %ne3A_32 : i32 to vector<16xi32>
    %ne3A_34 = arith.cmpi ne, %rem3A_31, %ne3A_33 : vector<16xi32>
    %and3A = arith.andi %ne3A_29, %ne3A_34 : vector<16xi1>
    %sub3A = arith.constant 1 : i32
    %sub3A_35 = vector.broadcast %sub3A : i32 to vector<16xi32>
    %sub3A_36 = arith.subi %div3A_13, %sub3A_35 : vector<16xi32>
    %select_n3A = arith.select %and3A, %sub3A_36, %div3A_13 : vector<16xi1>, vector<16xi32>
    %mul3A_37 = arith.constant 16 : i32
    %mul3A_38 = vector.broadcast %mul3A_37 : i32 to vector<16xi32>
    %mul3A_39 = arith.muli %select_n3A, %mul3A_38 : vector<16xi32>
    %gather3A = tpu.vector_load_idx %arg6[%rem3A_12] : memref<8xi32, #tpu.memory_space<vmem>>[vector<16xi32>], vector<16xi32>,
    %broadcast_in_dim3A = arith.constant 0 : i32
    %broadcast_in_dim3A_40 = vector.broadcast %broadcast_in_dim3A : i32 to vector<16xi32>
    %add3A = arith.constant 0 : i32
    %add3A_41 = vector.broadcast %add3A : i32 to vector<16xi32>
    %add3A_42 = arith.addi %mul3A_39, %add3A_41 : vector<16xi32>
    %gather3A_43 = tpu.vector_load_idx %arg5[%rem3A_12, %add3A_42] : memref<8x32xi32, #tpu.memory_space<vmem>>[vector<16xi32>, vector<16xi32>], vector<16xi32>,
    %add3A_44 = arith.addi %broadcast_in_dim3A_40, %gather3A_43 : vector<16xi32>
    %add3A_45 = arith.constant 1 : i32
    %add3A_46 = vector.broadcast %add3A_45 : i32 to vector<16xi32>
    %add3A_47 = arith.addi %mul3A_39, %add3A_46 : vector<16xi32>
    %gather3A_48 = tpu.vector_load_idx %arg5[%rem3A_12, %add3A_47] : memref<8x32xi32, #tpu.memory_space<vmem>>[vector<16xi32>, vector<16xi32>], vector<16xi32>,
    %add3A_49 = arith.addi %add3A_44, %gather3A_48 : vector<16xi32>
    %add3A_50 = arith.constant 2 : i32
    %add3A_51 = vector.broadcast %add3A_50 : i32 to vector<16xi32>
    %add3A_52 = arith.addi %mul3A_39, %add3A_51 : vector<16xi32>
    %gather3A_53 = tpu.vector_load_idx %arg5[%rem3A_12, %add3A_52] : memref<8x32xi32, #tpu.memory_space<vmem>>[vector<16xi32>, vector<16xi32>], vector<16xi32>,
    %add3A_54 = arith.addi %add3A_49, %gather3A_53 : vector<16xi32>
    %add3A_55 = arith.constant 3 : i32
    %add3A_56 = vector.broadcast %add3A_55 : i32 to vector<16xi32>
    %add3A_57 = arith.addi %mul3A_39, %add3A_56 : vector<16xi32>
    %gather3A_58 = tpu.vector_load_idx %arg5[%rem3A_12, %add3A_57] : memref<8x32xi32, #tpu.memory_space<vmem>>[vector<16xi32>, vector<16xi32>], vector<16xi32>,
    %add3A_59 = arith.addi %add3A_54, %gather3A_58 : vector<16xi32>
    %add3A_60 = arith.constant 4 : i32
    %add3A_61 = vector.broadcast %add3A_60 : i32 to vector<16xi32>
    %add3A_62 = arith.addi %mul3A_39, %add3A_61 : vector<16xi32>
    %gather3A_63 = tpu.vector_load_idx %arg5[%rem3A_12, %add3A_62] : memref<8x32xi32, #tpu.memory_space<vmem>>[vector<16xi32>, vector<16xi32>], vector<16xi32>,
    %add3A_64 = arith.addi %add3A_59, %gather3A_63 : vector<16xi32>
    %add3A_65 = arith.constant 5 : i32
    %add3A_66 = vector.broadcast %add3A_65 : i32 to vector<16xi32>
    %add3A_67 = arith.addi %mul3A_39, %add3A_66 : vector<16xi32>
    %gather3A_68 = tpu.vector_load_idx %arg5[%rem3A_12, %add3A_67] : memref<8x32xi32, #tpu.memory_space<vmem>>[vector<16xi32>, vector<16xi32>], vector<16xi32>,
    %add3A_69 = arith.addi %add3A_64, %gather3A_68 : vector<16xi32>
    %add3A_70 = arith.constant 6 : i32
    %add3A_71 = vector.broadcast %add3A_70 : i32 to vector<16xi32>
    %add3A_72 = arith.addi %mul3A_39, %add3A_71 : vector<16xi32>
    %gather3A_73 = tpu.vector_load_idx %arg5[%rem3A_12, %add3A_72] : memref<8x32xi32, #tpu.memory_space<vmem>>[vector<16xi32>, vector<16xi32>], vector<16xi32>,
    %add3A_74 = arith.addi %add3A_69, %gather3A_73 : vector<16xi32>
    %add3A_75 = arith.constant 7 : i32
    %add3A_76 = vector.broadcast %add3A_75 : i32 to vector<16xi32>
    %add3A_77 = arith.addi %mul3A_39, %add3A_76 : vector<16xi32>
    %gather3A_78 = tpu.vector_load_idx %arg5[%rem3A_12, %add3A_77] : memref<8x32xi32, #tpu.memory_space<vmem>>[vector<16xi32>, vector<16xi32>], vector<16xi32>,
    %add3A_79 = arith.addi %add3A_74, %gather3A_78 : vector<16xi32>
    %add3A_80 = arith.constant 8 : i32
    %add3A_81 = vector.broadcast %add3A_80 : i32 to vector<16xi32>
    %add3A_82 = arith.addi %mul3A_39, %add3A_81 : vector<16xi32>
    %gather3A_83 = tpu.vector_load_idx %arg5[%rem3A_12, %add3A_82] : memref<8x32xi32, #tpu.memory_space<vmem>>[vector<16xi32>, vector<16xi32>], vector<16xi32>,
    %add3A_84 = arith.addi %add3A_79, %gather3A_83 : vector<16xi32>
    %add3A_85 = arith.constant 9 : i32
    %add3A_86 = vector.broadcast %add3A_85 : i32 to vector<16xi32>
    %add3A_87 = arith.addi %mul3A_39, %add3A_86 : vector<16xi32>
    %gather3A_88 = tpu.vector_load_idx %arg5[%rem3A_12, %add3A_87] : memref<8x32xi32, #tpu.memory_space<vmem>>[vector<16xi32>, vector<16xi32>], vector<16xi32>,
    %add3A_89 = arith.addi %add3A_84, %gather3A_88 : vector<16xi32>
    %add3A_90 = arith.constant 10 : i32
    %add3A_91 = vector.broadcast %add3A_90 : i32 to vector<16xi32>
    %add3A_92 = arith.addi %mul3A_39, %add3A_91 : vector<16xi32>
    %gather3A_93 = tpu.vector_load_idx %arg5[%rem3A_12, %add3A_92] : memref<8x32xi32, #tpu.memory_space<vmem>>[vector<16xi32>, vector<16xi32>], vector<16xi32>,
    %add3A_94 = arith.addi %add3A_89, %gather3A_93 : vector<16xi32>
    %add3A_95 = arith.constant 11 : i32
    %add3A_96 = vector.broadcast %add3A_95 : i32 to vector<16xi32>
    %add3A_97 = arith.addi %mul3A_39, %add3A_96 : vector<16xi32>
    %gather3A_98 = tpu.vector_load_idx %arg5[%rem3A_12, %add3A_97] : memref<8x32xi32, #tpu.memory_space<vmem>>[vector<16xi32>, vector<16xi32>], vector<16xi32>,
    %add3A_99 = arith.addi %add3A_94, %gather3A_98 : vector<16xi32>
    %add3A_100 = arith.constant 12 : i32
    %add3A_101 = vector.broadcast %add3A_100 : i32 to vector<16xi32>
    %add3A_102 = arith.addi %mul3A_39, %add3A_101 : vector<16xi32>
    %gather3A_103 = tpu.vector_load_idx %arg5[%rem3A_12, %add3A_102] : memref<8x32xi32, #tpu.memory_space<vmem>>[vector<16xi32>, vector<16xi32>], vector<16xi32>,
    %add3A_104 = arith.addi %add3A_99, %gather3A_103 : vector<16xi32>
    %add3A_105 = arith.constant 13 : i32
    %add3A_106 = vector.broadcast %add3A_105 : i32 to vector<16xi32>
    %add3A_107 = arith.addi %mul3A_39, %add3A_106 : vector<16xi32>
    %gather3A_108 = tpu.vector_load_idx %arg5[%rem3A_12, %add3A_107] : memref<8x32xi32, #tpu.memory_space<vmem>>[vector<16xi32>, vector<16xi32>], vector<16xi32>,
    %add3A_109 = arith.addi %add3A_104, %gather3A_108 : vector<16xi32>
    %add3A_110 = arith.constant 14 : i32
    %add3A_111 = vector.broadcast %add3A_110 : i32 to vector<16xi32>
    %add3A_112 = arith.addi %mul3A_39, %add3A_111 : vector<16xi32>
    %gather3A_113 = tpu.vector_load_idx %arg5[%rem3A_12, %add3A_112] : memref<8x32xi32, #tpu.memory_space<vmem>>[vector<16xi32>, vector<16xi32>], vector<16xi32>,
    %add3A_114 = arith.addi %add3A_109, %gather3A_113 : vector<16xi32>
    %add3A_115 = arith.constant 15 : i32
    %add3A_116 = vector.broadcast %add3A_115 : i32 to vector<16xi32>
    %add3A_117 = arith.addi %mul3A_39, %add3A_116 : vector<16xi32>
    %gather3A_118 = tpu.vector_load_idx %arg5[%rem3A_12, %add3A_117] : memref<8x32xi32, #tpu.memory_space<vmem>>[vector<16xi32>, vector<16xi32>], vector<16xi32>,
    %add3A_119 = arith.addi %add3A_114, %gather3A_118 : vector<16xi32>
    %swap3A = arith.constant 0 : index
    %swap3A_120 = tpu.vector_load %arg7[%swap3A] {strides = array<i32>} : memref<16xi32, #tpu.memory_space<vmem>>, vector<16xi32>,
    tpu.vector_store %arg7[%swap3A], %add3A_119 {strides = array<i32>} : memref<16xi32, #tpu.memory_space<vmem>>, vector<16xi32>,
    %add3A_121 = arith.constant 8 : i32
    %add3A_122 = vector.broadcast %add3A_121 : i32 to vector<16xi32>
    %add3A_123 = arith.addi %iota3A, %add3A_122 : vector<16xi32>
    %rem3A_124 = arith.constant 16 : i32
    %rem3A_125 = vector.broadcast %rem3A_124 : i32 to vector<16xi32>
    %rem3A_126 = arith.remsi %add3A_123, %rem3A_125 : vector<16xi32>
    %gather3A_127 = tpu.vector_load_idx %arg7[%rem3A_126] : memref<16xi32, #tpu.memory_space<vmem>>[vector<16xi32>], vector<16xi32>,
    %add3A_128 = arith.addi %add3A_119, %gather3A_127 : vector<16xi32>
    %sub3A_129 = arith.constant 32 : i32
    %sub3A_130 = vector.broadcast %sub3A_129 : i32 to vector<16xi32>
    %sub3A_131 = arith.subi %sub3A_130, %add3A_128 : vector<16xi32>
    %add3A_132 = arith.addi %gather3A, %sub3A_131 : vector<16xi32>
    %sub3A_133 = arith.constant 1 : i32
    %sub3A_134 = vector.broadcast %sub3A_133 : i32 to vector<16xi32>
    %sub3A_135 = arith.subi %add3A_132, %sub3A_134 : vector<16xi32>
    %add3A_136 = arith.constant 16 : i32
    %add3A_137 = vector.broadcast %add3A_136 : i32 to vector<16xi32>
    %add3A_138 = arith.addi %sub3A_135, %add3A_137 : vector<16xi32>
    %and3A_139 = arith.constant -16 : i32
    %and3A_140 = vector.broadcast %and3A_139 : i32 to vector<16xi32>
    %and3A_141 = arith.andi %add3A_138, %and3A_140 : vector<16xi32>
    %sub3A_142 = arith.constant 16 : i32
    %sub3A_143 = vector.broadcast %sub3A_142 : i32 to vector<16xi32>
    %sub3A_144 = arith.subi %and3A_141, %sub3A_143 : vector<16xi32>
    %sub3A_145 = arith.subi %sub3A_144, %gather3A : vector<16xi32>
    %max3A = arith.constant 0 : i32
    %max3A_146 = vector.broadcast %max3A : i32 to vector<16xi32>
    %max3A_147 = arith.maxsi %sub3A_145, %max3A_146 : vector<16xi32>
    %add3A_148 = arith.constant 16 : i32
    %add3A_149 = vector.broadcast %add3A_148 : i32 to vector<16xi32>
    %add3A_150 = arith.addi %sub3A_145, %add3A_149 : vector<16xi32>
    %min3A = arith.constant 32 : i32
    %min3A_151 = vector.broadcast %min3A : i32 to vector<16xi32>
    %min3A_152 = arith.minsi %add3A_150, %min3A_151 : vector<16xi32>
    %broadcast_in_dim3A_153 = arith.constant 0 : i32
    %broadcast_in_dim3A_154 = vector.broadcast %broadcast_in_dim3A_153 : i32 to vector<16xi32>
    %add3A_155 = arith.constant 0 : i32
    %add3A_156 = vector.broadcast %add3A_155 : i32 to vector<16xi32>
    %add3A_157 = arith.addi %mul3A_39, %add3A_156 : vector<16xi32>
    %ge3A = arith.cmpi sge, %add3A_157, %max3A_147 : vector<16xi32>
    %lt3A = arith.cmpi slt, %add3A_157, %min3A_152 : vector<16xi32>
    %and3A_158 = arith.andi %ge3A, %lt3A : vector<16xi1>
    tpu.vector_store_idx %arg5[%rem3A_12, %add3A_157], %broadcast_in_dim3A_154 masked %and3A_158 : memref<8x32xi32, #tpu.memory_space<vmem>>[vector<16xi32>, vector<16xi32>], vector<16xi32>, vector<16xi1>
    %add3A_159 = arith.constant 1 : i32
    %add3A_160 = vector.broadcast %add3A_159 : i32 to vector<16xi32>
    %add3A_161 = arith.addi %mul3A_39, %add3A_160 : vector<16xi32>
    %ge3A_162 = arith.cmpi sge, %add3A_161, %max3A_147 : vector<16xi32>
    %lt3A_163 = arith.cmpi slt, %add3A_161, %min3A_152 : vector<16xi32>
    %and3A_164 = arith.andi %ge3A_162, %lt3A_163 : vector<16xi1>
    tpu.vector_store_idx %arg5[%rem3A_12, %add3A_161], %broadcast_in_dim3A_154 masked %and3A_164 : memref<8x32xi32, #tpu.memory_space<vmem>>[vector<16xi32>, vector<16xi32>], vector<16xi32>, vector<16xi1>
    %add3A_165 = arith.constant 2 : i32
    %add3A_166 = vector.broadcast %add3A_165 : i32 to vector<16xi32>
    %add3A_167 = arith.addi %mul3A_39, %add3A_166 : vector<16xi32>
    %ge3A_168 = arith.cmpi sge, %add3A_167, %max3A_147 : vector<16xi32>
    %lt3A_169 = arith.cmpi slt, %add3A_167, %min3A_152 : vector<16xi32>
    %and3A_170 = arith.andi %ge3A_168, %lt3A_169 : vector<16xi1>
    tpu.vector_store_idx %arg5[%rem3A_12, %add3A_167], %broadcast_in_dim3A_154 masked %and3A_170 : memref<8x32xi32, #tpu.memory_space<vmem>>[vector<16xi32>, vector<16xi32>], vector<16xi32>, vector<16xi1>
    %add3A_171 = arith.constant 3 : i32
    %add3A_172 = vector.broadcast %add3A_171 : i32 to vector<16xi32>
    %add3A_173 = arith.addi %mul3A_39, %add3A_172 : vector<16xi32>
    %ge3A_174 = arith.cmpi sge, %add3A_173, %max3A_147 : vector<16xi32>
    %lt3A_175 = arith.cmpi slt, %add3A_173, %min3A_152 : vector<16xi32>
    %and3A_176 = arith.andi %ge3A_174, %lt3A_175 : vector<16xi1>
    tpu.vector_store_idx %arg5[%rem3A_12, %add3A_173], %broadcast_in_dim3A_154 masked %and3A_176 : memref<8x32xi32, #tpu.memory_space<vmem>>[vector<16xi32>, vector<16xi32>], vector<16xi32>, vector<16xi1>
    %add3A_177 = arith.constant 4 : i32
    %add3A_178 = vector.broadcast %add3A_177 : i32 to vector<16xi32>
    %add3A_179 = arith.addi %mul3A_39, %add3A_178 : vector<16xi32>
    %ge3A_180 = arith.cmpi sge, %add3A_179, %max3A_147 : vector<16xi32>
    %lt3A_181 = arith.cmpi slt, %add3A_179, %min3A_152 : vector<16xi32>
    %and3A_182 = arith.andi %ge3A_180, %lt3A_181 : vector<16xi1>
    tpu.vector_store_idx %arg5[%rem3A_12, %add3A_179], %broadcast_in_dim3A_154 masked %and3A_182 : memref<8x32xi32, #tpu.memory_space<vmem>>[vector<16xi32>, vector<16xi32>], vector<16xi32>, vector<16xi1>
    %add3A_183 = arith.constant 5 : i32
    %add3A_184 = vector.broadcast %add3A_183 : i32 to vector<16xi32>
    %add3A_185 = arith.addi %mul3A_39, %add3A_184 : vector<16xi32>
    %ge3A_186 = arith.cmpi sge, %add3A_185, %max3A_147 : vector<16xi32>
    %lt3A_187 = arith.cmpi slt, %add3A_185, %min3A_152 : vector<16xi32>
    %and3A_188 = arith.andi %ge3A_186, %lt3A_187 : vector<16xi1>
    tpu.vector_store_idx %arg5[%rem3A_12, %add3A_185], %broadcast_in_dim3A_154 masked %and3A_188 : memref<8x32xi32, #tpu.memory_space<vmem>>[vector<16xi32>, vector<16xi32>], vector<16xi32>, vector<16xi1>
    %add3A_189 = arith.constant 6 : i32
    %add3A_190 = vector.broadcast %add3A_189 : i32 to vector<16xi32>
    %add3A_191 = arith.addi %mul3A_39, %add3A_190 : vector<16xi32>
    %ge3A_192 = arith.cmpi sge, %add3A_191, %max3A_147 : vector<16xi32>
    %lt3A_193 = arith.cmpi slt, %add3A_191, %min3A_152 : vector<16xi32>
    %and3A_194 = arith.andi %ge3A_192, %lt3A_193 : vector<16xi1>
    tpu.vector_store_idx %arg5[%rem3A_12, %add3A_191], %broadcast_in_dim3A_154 masked %and3A_194 : memref<8x32xi32, #tpu.memory_space<vmem>>[vector<16xi32>, vector<16xi32>], vector<16xi32>, vector<16xi1>
    %add3A_195 = arith.constant 7 : i32
    %add3A_196 = vector.broadcast %add3A_195 : i32 to vector<16xi32>
    %add3A_197 = arith.addi %mul3A_39, %add3A_196 : vector<16xi32>
    %ge3A_198 = arith.cmpi sge, %add3A_197, %max3A_147 : vector<16xi32>
    %lt3A_199 = arith.cmpi slt, %add3A_197, %min3A_152 : vector<16xi32>
    %and3A_200 = arith.andi %ge3A_198, %lt3A_199 : vector<16xi1>
    tpu.vector_store_idx %arg5[%rem3A_12, %add3A_197], %broadcast_in_dim3A_154 masked %and3A_200 : memref<8x32xi32, #tpu.memory_space<vmem>>[vector<16xi32>, vector<16xi32>], vector<16xi32>, vector<16xi1>
    %add3A_201 = arith.constant 8 : i32
    %add3A_202 = vector.broadcast %add3A_201 : i32 to vector<16xi32>
    %add3A_203 = arith.addi %mul3A_39, %add3A_202 : vector<16xi32>
    %ge3A_204 = arith.cmpi sge, %add3A_203, %max3A_147 : vector<16xi32>
    %lt3A_205 = arith.cmpi slt, %add3A_203, %min3A_152 : vector<16xi32>
    %and3A_206 = arith.andi %ge3A_204, %lt3A_205 : vector<16xi1>
    tpu.vector_store_idx %arg5[%rem3A_12, %add3A_203], %broadcast_in_dim3A_154 masked %and3A_206 : memref<8x32xi32, #tpu.memory_space<vmem>>[vector<16xi32>, vector<16xi32>], vector<16xi32>, vector<16xi1>
    %add3A_207 = arith.constant 9 : i32
    %add3A_208 = vector.broadcast %add3A_207 : i32 to vector<16xi32>
    %add3A_209 = arith.addi %mul3A_39, %add3A_208 : vector<16xi32>
    %ge3A_210 = arith.cmpi sge, %add3A_209, %max3A_147 : vector<16xi32>
    %lt3A_211 = arith.cmpi slt, %add3A_209, %min3A_152 : vector<16xi32>
    %and3A_212 = arith.andi %ge3A_210, %lt3A_211 : vector<16xi1>
    tpu.vector_store_idx %arg5[%rem3A_12, %add3A_209], %broadcast_in_dim3A_154 masked %and3A_212 : memref<8x32xi32, #tpu.memory_space<vmem>>[vector<16xi32>, vector<16xi32>], vector<16xi32>, vector<16xi1>
    %add3A_213 = arith.constant 10 : i32
    %add3A_214 = vector.broadcast %add3A_213 : i32 to vector<16xi32>
    %add3A_215 = arith.addi %mul3A_39, %add3A_214 : vector<16xi32>
    %ge3A_216 = arith.cmpi sge, %add3A_215, %max3A_147 : vector<16xi32>
    %lt3A_217 = arith.cmpi slt, %add3A_215, %min3A_152 : vector<16xi32>
    %and3A_218 = arith.andi %ge3A_216, %lt3A_217 : vector<16xi1>
    tpu.vector_store_idx %arg5[%rem3A_12, %add3A_215], %broadcast_in_dim3A_154 masked %and3A_218 : memref<8x32xi32, #tpu.memory_space<vmem>>[vector<16xi32>, vector<16xi32>], vector<16xi32>, vector<16xi1>
    %add3A_219 = arith.constant 11 : i32
    %add3A_220 = vector.broadcast %add3A_219 : i32 to vector<16xi32>
    %add3A_221 = arith.addi %mul3A_39, %add3A_220 : vector<16xi32>
    %ge3A_222 = arith.cmpi sge, %add3A_221, %max3A_147 : vector<16xi32>
    %lt3A_223 = arith.cmpi slt, %add3A_221, %min3A_152 : vector<16xi32>
    %and3A_224 = arith.andi %ge3A_222, %lt3A_223 : vector<16xi1>
    tpu.vector_store_idx %arg5[%rem3A_12, %add3A_221], %broadcast_in_dim3A_154 masked %and3A_224 : memref<8x32xi32, #tpu.memory_space<vmem>>[vector<16xi32>, vector<16xi32>], vector<16xi32>, vector<16xi1>
    %add3A_225 = arith.constant 12 : i32
    %add3A_226 = vector.broadcast %add3A_225 : i32 to vector<16xi32>
    %add3A_227 = arith.addi %mul3A_39, %add3A_226 : vector<16xi32>
    %ge3A_228 = arith.cmpi sge, %add3A_227, %max3A_147 : vector<16xi32>
    %lt3A_229 = arith.cmpi slt, %add3A_227, %min3A_152 : vector<16xi32>
    %and3A_230 = arith.andi %ge3A_228, %lt3A_229 : vector<16xi1>
    tpu.vector_store_idx %arg5[%rem3A_12, %add3A_227], %broadcast_in_dim3A_154 masked %and3A_230 : memref<8x32xi32, #tpu.memory_space<vmem>>[vector<16xi32>, vector<16xi32>], vector<16xi32>, vector<16xi1>
    %add3A_231 = arith.constant 13 : i32
    %add3A_232 = vector.broadcast %add3A_231 : i32 to vector<16xi32>
    %add3A_233 = arith.addi %mul3A_39, %add3A_232 : vector<16xi32>
    %ge3A_234 = arith.cmpi sge, %add3A_233, %max3A_147 : vector<16xi32>
    %lt3A_235 = arith.cmpi slt, %add3A_233, %min3A_152 : vector<16xi32>
    %and3A_236 = arith.andi %ge3A_234, %lt3A_235 : vector<16xi1>
    tpu.vector_store_idx %arg5[%rem3A_12, %add3A_233], %broadcast_in_dim3A_154 masked %and3A_236 : memref<8x32xi32, #tpu.memory_space<vmem>>[vector<16xi32>, vector<16xi32>], vector<16xi32>, vector<16xi1>
    %add3A_237 = arith.constant 14 : i32
    %add3A_238 = vector.broadcast %add3A_237 : i32 to vector<16xi32>
    %add3A_239 = arith.addi %mul3A_39, %add3A_238 : vector<16xi32>
    %ge3A_240 = arith.cmpi sge, %add3A_239, %max3A_147 : vector<16xi32>
    %lt3A_241 = arith.cmpi slt, %add3A_239, %min3A_152 : vector<16xi32>
    %and3A_242 = arith.andi %ge3A_240, %lt3A_241 : vector<16xi1>
    tpu.vector_store_idx %arg5[%rem3A_12, %add3A_239], %broadcast_in_dim3A_154 masked %and3A_242 : memref<8x32xi32, #tpu.memory_space<vmem>>[vector<16xi32>, vector<16xi32>], vector<16xi32>, vector<16xi1>
    %add3A_243 = arith.constant 15 : i32
    %add3A_244 = vector.broadcast %add3A_243 : i32 to vector<16xi32>
    %add3A_245 = arith.addi %mul3A_39, %add3A_244 : vector<16xi32>
    %ge3A_246 = arith.cmpi sge, %add3A_245, %max3A_147 : vector<16xi32>
    %lt3A_247 = arith.cmpi slt, %add3A_245, %min3A_152 : vector<16xi32>
    %and3A_248 = arith.andi %ge3A_246, %lt3A_247 : vector<16xi1>
    tpu.vector_store_idx %arg5[%rem3A_12, %add3A_245], %broadcast_in_dim3A_154 masked %and3A_248 : memref<8x32xi32, #tpu.memory_space<vmem>>[vector<16xi32>, vector<16xi32>], vector<16xi32>, vector<16xi1>
    "tpu.region"() ({
      %run_scoped3A = tpu.sem_alloc : memref<!tpu.dma_semaphore, #tpu.memory_space<semaphore_mem>>
      %dma_start3A_249 = arith.constant 0 : i32
      %dma_start3A_250 = tpu.memref_slice %arg4[%mul3A_0, %dma_start3A_249] : memref<128x32xi32, #tpu.memory_space<hbm>> -> memref<8x32xi32, #tpu.memory_space<hbm>>
      %dma_start3A_251 = arith.constant 0 : i32
      %dma_start3A_252 = tpu.memref_slice %arg4[%mul3A_0, %dma_start3A_251] : memref<128x32xi32, #tpu.memory_space<hbm>> -> memref<8x32xi32, #tpu.memory_space<hbm>>
      tpu.enqueue_dma source(%arg5 : memref<8x32xi32, #tpu.memory_space<vmem>>) target(%dma_start3A_252 : memref<8x32xi32, #tpu.memory_space<hbm>>) target_semaphore(%run_scoped3A : memref<!tpu.dma_semaphore, #tpu.memory_space<semaphore_mem>>)
      %dma_wait3A_253 = arith.constant 0 : i32
      %dma_wait3A_254 = tpu.memref_slice %arg4[%mul3A_0, %dma_wait3A_253] : memref<128x32xi32, #tpu.memory_space<hbm>> -> memref<8x32xi32, #tpu.memory_space<hbm>>
      %dma_wait3A_255 = arith.constant 0 : i32
      %dma_wait3A_256 = tpu.memref_slice %arg4[%mul3A_0, %dma_wait3A_255] : memref<128x32xi32, #tpu.memory_space<hbm>> -> memref<8x32xi32, #tpu.memory_space<hbm>>
      tpu.wait_dma2 semaphore(%run_scoped3A : memref<!tpu.dma_semaphore, #tpu.memory_space<semaphore_mem>>) src(%arg5 : memref<8x32xi32, #tpu.memory_space<vmem>>) dst(%dma_wait3A_256 : memref<8x32xi32, #tpu.memory_space<hbm>>)
      tpu.yield
    }) : () -> ()
    return
  }
}

</mosaic_0001>

<sc_bundles>
// kernel: kernel.3.cloned.1.call-start
scs
__scs_entry_jumppad:
0x0: {  	(pc) =	sbr.rel $0x88, $3  }
0x1: {  	(tag) =	ssettag $0x0;
	lr =	simm.s32 $0x1  }
0x2: {  	[smem:$0x3F9F] =	sst lr;
	_ =	strace $0xD0000000  }
0x3: {  	_ = 	snop  }
0x4: {  	_ = 	snop  }
0x5: {  	_ = 	snop  }
0x6: {  	_ = 	snop  }
0x7: {  	_ = 	snop  }
__scs_overlays_trampoline_lowered:
0x8: {  	[smem:$0x3FAE] =	sst s0  }
0x9: {  	[smem:$0x3FAF] =	sst s1  }
0xa: {  	[smem:$0x3FB0] =	sst s2  }
0xb: {  	[smem:$0x3FB1] =	sst s3  }
0xc: {  	[smem:$0x3FB2] =	sst s4  }
0xd: {  	[smem:$0x3FB3] =	sst s5  }
0xe: {  	[smem:$0x3FB4] =	sst s6  }
0xf: {  	[smem:$0x3FB5] =	sst s7  }
0x10: {  	[smem:$0x3FB6] =	sst s8  }
0x11: {  	[smem:$0x3FB7] =	sst s9;
	s0 =	simm.s32 @!p0 $0x0  }
0x12: {  	s1 =	sld [smem:$0x3F9D];
	s0 =	simm.s32 @p0 $0x1  }
0x13: {  	[smem:$0x3FB8] =	sst s0;
	s0 =	simm.s32 @!p1 $0x0  }
0x14: {  	s2 =	sld [smem:$0x3F9C];
	s0 =	simm.s32 @p1 $0x1  }
0x15: {  	[smem:$0x3FB9] =	sst s0;
	s0 =	simm.s32 @!p2 $0x0  }
0x16: {  	s3 =	sld [smem:$0x3FDB];
	s0 =	simm.s32 @p2 $0x1  }
0x17: {  	s4 =	simm.s32 $0x1BF5;
	[smem:$0x3FBB] =	sst s0  }
0x18: {  	s0 =	sld [smem:$0x3F9E];
	_ =	swait.ge [sflag:s4], $0x0  }
0x19: {  	s7 =	sld [smem:$0x3F9F]  }
0x1a: {  	s8 =	sadd.s32 $0xFFFFE003, lr  }
0x1b: {  	s9 =	sadd.s32 $0xFFFFFEF7, lr;
	s5 =	simm.s32 $0xFFFFFFFF;
	p2 =	slt.u32 s8, $0xFFFFF086  }
0x1c: {  	p1 =	slt.u32 s9, $0xF7A;
	s5 =	simm.s32 @!p2 $0x0  }
0x1d: {  	s5 =	simm.s32 @p1 $0x1;
	p0 =	seq.s32 s7, s2  }
0x1e: {  	s7 =	smul.u32 @!p0 $0xF7A, s2;
	p2 =	seq.s32 @!p0 s5, $0x0  }
0x1f: {  	s9 =	smul.u32 $0xF7A, s1;
	s8 =	simm.s32 @!p0 $0x1BF5;
	p2 =	por !p2, p0  }
0x20: {  	[sflag:s8] =	ssyncset.s32 @!p0 $0xFFFFF086;
	s6 =	sadd.s32 @!p0 s3, s7;
	s7 =	simm.s32 @!p0 $0x108  }
0x21: {  	s3 =	sadd.s32 s3, s9;
	s6 =	sadd.s32 @!p0 $0x88, s6;
	s7 =	simm.s32 @p2 $0x1082  }
0x22: {  	[simem:s7], [sflag:s8] =	dma.local @!p0 [hbm:s6], $0xF7A  }
0x23: {  	s9 =	sor.u32 $0xD0000000, s2;
	s6 =	simm.s32 $0x108;
	_ =	swait.ge @!p0 [sflag:s8], $0x0  }
0x24: {  	s3 =	sadd.s32 $0x88, s3;
	s6 =	simm.s32 @!p1 $0x1082;
	[sflag:s4] =	ssyncset.s32 $0xFFFFF086  }
0x25: {  	[simem:s6], [sflag:s4] =	dma.local [hbm:s3], $0xF7A  }
0x26: {  	[smem:$0x3F9F] =	sst s1;
	(tag) =	ssettag s2;
	_ =	strace s9  }
0x27: {  	s1 =	sld [smem:$0x3FAF]  }
0x28: {  	s2 =	sld [smem:$0x3FB0]  }
0x29: {  	s4 =	sld [smem:$0x3FB2]  }
0x2a: {  	p0 =	seq.s32 s5, $0x0;
	s5 =	sld [smem:$0x3FB3]  }
0x2b: {  	s6 =	sld [smem:$0x3FB4]  }
0x2c: {  	s7 =	sld [smem:$0x3FB5]  }
0x2d: {  	s3 =	simm.s32 $0x108;
	s8 =	sld [smem:$0x3FB6]  }
0x2e: {  	s3 =	simm.s32 @!p0 $0x1082;
	s9 =	sld [smem:$0x3FB7]  }
0x2f: {  	lr =	sadd.s32 s0, s3;
	s0 =	sld [smem:$0x3FAE]  }
0x30: {  	s3 =	sld [smem:$0x3FB1]  }
0x31: {  	[smem:$0x3FBA] =	sst s10  }
0x32: {  	s10 =	sld [smem:$0x3FB8];
	_ =	sdelay $0x3  }
0x33: {  	p0 =	seq.s32 s10, $0x1;
	s10 =	sld [smem:$0x3FBA];
	_ =	sdelay $0x3  }
0x34: {  	[smem:$0x3FBA] =	sst s10  }
0x35: {  	s10 =	sld [smem:$0x3FB9];
	_ =	sdelay $0x3  }
0x36: {  	p1 =	seq.s32 s10, $0x1;
	s10 =	sld [smem:$0x3FBA];
	_ =	sdelay $0x3  }
0x37: {  	[smem:$0x3FBA] =	sst s10  }
0x38: {  	s10 =	sld [smem:$0x3FBB]  }
0x39: {  	_ = 	snop;
	(pc) =	sbr.ind lr, $3  }
0x3a: {  	_ = 	snop  }
0x3b: {  	_ = 	snop  }
0x3c: {  	p2 =	seq.s32 s10, $0x1;
	s10 =	sld [smem:$0x3FBA]  }
0x3d: {  	_ =	shalt  }
0x3e: {  	_ =	shalt  }
0x3f: {  	_ =	shalt  }
0x40: {  	_ =	shalt  }
0x41: {  	_ =	shalt  }
0x42: {  	_ =	shalt  }
0x43: {  	_ =	shalt  }
0x44: {  	_ =	shalt  }
0x45: {  	_ =	shalt  }
0x46: {  	_ =	shalt  }
0x47: {  	_ =	shalt  }
0x48: {  	_ =	shalt  }
0x49: {  	_ =	shalt  }
0x4a: {  	_ =	shalt  }
0x4b: {  	_ =	shalt  }
0x4c: {  	_ =	shalt  }
0x4d: {  	_ =	shalt  }
0x4e: {  	_ =	shalt  }
0x4f: {  	_ =	shalt  }
0x50: {  	_ =	shalt  }
0x51: {  	_ =	shalt  }
0x52: {  	_ =	shalt  }
0x53: {  	_ =	shalt  }
0x54: {  	_ =	shalt  }
0x55: {  	_ =	shalt  }
0x56: {  	_ =	shalt  }
0x57: {  	_ =	shalt  }
0x58: {  	_ =	shalt  }
0x59: {  	_ =	shalt  }
0x5a: {  	_ =	shalt  }
0x5b: {  	_ =	shalt  }
0x5c: {  	_ =	shalt  }
0x5d: {  	_ =	shalt  }
0x5e: {  	_ =	shalt  }
0x5f: {  	_ =	shalt  }
0x60: {  	_ =	shalt  }
0x61: {  	_ =	shalt  }
0x62: {  	_ =	shalt  }
0x63: {  	_ =	shalt  }
0x64: {  	_ =	shalt  }
0x65: {  	_ =	shalt  }
0x66: {  	_ =	shalt  }
0x67: {  	_ =	shalt  }
0x68: {  	_ =	shalt  }
0x69: {  	_ =	shalt  }
0x6a: {  	_ =	shalt  }
0x6b: {  	_ =	shalt  }
0x6c: {  	_ =	shalt  }
0x6d: {  	_ =	shalt  }
0x6e: {  	_ =	shalt  }
0x6f: {  	_ =	shalt  }
0x70: {  	_ =	shalt  }
0x71: {  	_ =	shalt  }
0x72: {  	_ =	shalt  }
0x73: {  	_ =	shalt  }
0x74: {  	_ =	shalt  }
0x75: {  	_ =	shalt  }
0x76: {  	_ =	shalt  }
0x77: {  	_ =	shalt  }
0x78: {  	_ =	shalt  }
0x79: {  	_ =	shalt  }
0x7a: {  	_ =	shalt  }
0x7b: {  	_ =	shalt  }
0x7c: {  	_ =	shalt  }
0x7d: {  	_ =	shalt  }
0x7e: {  	_ =	shalt  }
0x7f: {  	_ =	shalt  }
0x80: {  	_ =	shalt  }
0x81: {  	_ =	shalt  }
0x82: {  	_ =	shalt  }
0x83: {  	_ =	shalt  }
0x84: {  	_ =	shalt  }
0x85: {  	_ =	shalt  }
0x86: {  	_ =	shalt  }
0x87: {  	_ =	shalt  }
.Lfunc_end0:
.L_simem_size_0:
called_computation_lowered:
.L_overlay_start_0:
0x88: {  	s0 =	sld [smem:$0x3FD9]  }
0x89: {  	s1 =	sld [smem:$0x3FFE];
	_ =	sdelay $0x3  }
0x8a: {  	s0 =	sadd.s32 s1, s0  }
0x8b: {  	[smem:$0x3FC6] =	sst s0  }
0x8c: {  	_ = 	snop  }
0x8d: {  	s0 =	sld [smem:$0x3FC9];
	(tm) =	ssettm $0x1  }
0x8e: {  	s16 =	sld [smem:$0x3FFB];
	_ =	sdelay $0x3  }
0x8f: {  	_ =	strace s16  }
0x90: {  	s1 =	sld [smem:$0x3FFC];
	_ =	sdelay $0x3  }
0x91: {  	_ =	strace s1  }
0x92: {  	s1 =	sld [smem:$0x3FFD];
	_ =	sdelay $0x3  }
0x93: {  	_ =	strace s1  }
0x94: {  	_ =	strace $0x8FFFFFFF  }
0x95: {  	s17 =	sld [smem:$0x3FDB];
	_ =	sdelay $0x1  }
0x96: {  	s2 =	simm.s32 $_scs_section_size  }
0x97: {  	s3 =	simm.s32 $_size__tile_overlayer_lowered;
	s4 =	simm.s32 $_tile_overlayer_lowered  }
0x98: {  	s20 =	simm.s32 $0x1BFF;
	s19 =	sshll.u32 s4, $0x1;
	s1 =	sadd.s32 s2, s17  }
0x99: {  	s5 =	simm.s32 $0x0;
	s18 =	sshll.u32 s3, $0x1;
	s3 =	sadd.s32 s19, s1  }
0x9a: {  	[timem:s5], [sflag:s20] =	dma.local [hbm:s3], s18  }
0x9b: {  	_ =	swait.ge [sflag:s20], s18  }
0x9c: {  	s2 =	ssub.s32 $0x0, s18;
	[sflag:s20] =	ssyncset.done $0x0  }
0x9d: {  	[sflag:s20] =	ssyncadd.s32 s2;
	_ =	sdelay $0x1  }
0x9e: {  	s21 =	simm.s32 $0x1B8B  }
0x9f: {  	_ =	swait.ge [sflag:s21], $0x1  }
0xa0: {  	[sflag:s21] =	ssyncset.done $0x0  }
0xa1: {  	s23 =	simm.s32 $0x1B8E;
	s22 =	sld [smem:$0x3FFE];
	[sflag:s21] =	ssyncadd.s32 $0xFFFFFFFF  }
0xa2: {  	s24 =	simm.s32 $execute0_lowered;
	[smem:$0x3FD2] =	sst s23  }
0xa3: {  	s3 =	sshll.u32 s24, $0x1;
	_ =	strace $0x80000046;
	[dreg:$0x1] =	wrdreg $0xFFFFFFFF  }
0xa4: {  	s25 =	simm.s32 $_size_execute0_lowered;
	s1 =	sadd.s32 s1, s3;
	[dreg:$0x0] =	wrdreg $0x0  }
0xa5: {  	s3 =	sshll.u32 s25, $0x1;
	[dreg:$0x2] =	wrdreg s1  }
0xa6: {  	[dreg:$0x3] =	wrdreg s3  }
0xa7: {  	[dreg:$0x4] =	wrdreg $0xC0  }
0xa8: {  	_ =	task [dreg:s5], $0x5FFFF  }
0xa9: {  	[dreg:$0x1] =	wrdreg $0xFFFFFFFF  }
0xaa: {  	[dreg:$0x0] =	wrdreg $0x60  }
0xab: {  	[dreg:$0x2] =	wrdreg s22  }
0xac: {  	[dreg:$0x3] =	wrdreg s0  }
0xad: {  	[dreg:$0x4] =	wrdreg $0x9  }
0xae: {  	_ =	task.clear_ibuf [dreg:s5], $0x5FFFF;
	_ =	strace $0x90000046  }
0xaf: {  	s26 =	simm.s32 $0x9;
	_ =	strace $0x80000048  }
0xb0: {  	_ =	swait.ge [sflag:s26], $0x1  }
0xb1: {  	[sflag:s26] =	ssyncadd.s32 $0xFFFFFFFF  }
0xb2: {  	_ =	strace $0x90000048  }
0xb3: {  	_ =	sfence  }
0xb4: {  	s28 =	sld [smem:$0x0];
	_ =	sdelay $0x1  }
0xb5: {  	s29 =	srdreg.scid  }
0xb6: {  	s30 =	sshll.u32 s29, $0xD;
	s31 =	sshrl.u32 s29, $0x2  }
0xb7: {  	s2 =	sand.u32 $0x4000, s30;
	s1 =	sand.u32 $0x1, s29;
	s0 =	sadd.s32 s31, s28  }
0xb8: {  	s1 =	sor.u32 s2, s1;
	s0 =	sshll.u32 s0, $0x11  }
0xb9: {  	s0 =	sor.u32 s0, s1  }
0xba: {  	s0 =	sadd.s32 $0x8F2B, s0  }
0xbb: {  	[sflag:s0] =	ssyncadd.remote.s32 $0x1  }
0xbc: {  	_ =	sfence.sel $0xFFFF  }
0xbd: {  	[dreg:$0x0] =	wrdreg $0xFFFFFFFF;
	(pc) =	sbr.abs _section_cstart, $3  }
0xbe: {  	[dreg:$0x1] =	wrdreg $0xFFFFFFFF  }
0xbf: {  	_ =	task.clear_ibuf [dreg:s5], $0x2FFFF;
	_ =	strace $0x9FFFFFFF  }
0xc0: {  	(tm) =	ssettm $0x7FFFFFFF  }
0xc1: {  	_ =	shalt  }
tec
execute0_lowered:
.L_overlay_start_1:
0x0: {  	(tag) =	ssettag $0x1  }
0x1: {  	v0 =	vimm.s32 $0x390  }
0x2: {  	vm14 =	vcmask $0x300;
	vm13 =	vcmask $0x704;
	vm12 =	vcmask $0xB08  }
0x3: {  	vm11 =	vcmask $0xF0C;
	vm10 =	vcmask $0x1310;
	vm9 =	vcmask $0x1714  }
0x4: {  	vm8 =	vcmask $0x1B18;
	vm7 =	vcmask $0x1F1C;
	vm6 =	vcmask $0x2320  }
0x5: {  	vm5 =	vcmask $0x2724;
	vm4 =	vcmask $0x2B28;
	vm3 =	vcmask $0x2F2C  }
0x6: {  	vm2 =	vcmask $0x3330;
	vm1 =	vcmask $0x3734;
	vm0 =	vcmask $0x3B38  }
0x7: {  	v1 =	vimm.s32 $0x391;
	v2 =	vimm.s32 $0x392;
	v3 =	vimm.s32 $0x393  }
0x8: {  	v23 =	vimm.s32 $0x394;
	v25 =	vimm.s32 $0x395;
	v26 =	vimm.s32 $0x396  }
0x9: {  	v31 =	vimm.s32 $0x397;
	v8 =	vimm.s32 $0x398;
	v9 =	vimm.s32 $0x399  }
0xa: {  	v35 =	vimm.s32 $0x39A;
	v12 =	vimm.s32 $0x39B;
	v13 =	vimm.s32 $0x39C  }
0xb: {  	v14 =	vimm.s32 $0x39D;
	v15 =	vimm.s32 $0x39E;
	v16 =	vimm.s32 $0x39F  }
0xc: {  	v0 =	vsel vm14, $0x0, v0;
	v1 =	vsel vm14, $0x1, v1;
	v2 =	vsel vm14, $0x2, v2  }
0xd: {  	v3 =	vsel vm14, $0x3, v3;
	v24 =	vsel vm14, $0x4, v23;
	v8 =	vsel vm14, $0x8, v8  }
0xe: {  	v9 =	vsel vm14, $0x9, v9;
	v12 =	vsel vm14, $0xB, v12;
	v13 =	vsel vm14, $0xC, v13  }
0xf: {  	v14 =	vsel vm14, $0xD, v14;
	v15 =	vsel vm14, $0xE, v15;
	v16 =	vsel vm14, $0xF, v16  }
0x10: {  	v0 =	vsel vm13, $0x80, v0;
	v1 =	vsel vm13, $0x81, v1;
	v2 =	vsel vm13, $0x82, v2  }
0x11: {  	v3 =	vsel vm13, $0x83, v3;
	v8 =	vsel vm13, $0x88, v8;
	v9 =	vsel vm13, $0x89, v9  }
0x12: {  	v12 =	vsel vm13, $0x8B, v12;
	v13 =	vsel vm13, $0x8C, v13;
	v14 =	vsel vm13, $0x8D, v14  }
0x13: {  	v15 =	vsel vm13, $0x8E, v15;
	v16 =	vsel vm13, $0x8F, v16;
	v0 =	vsel vm12, $0x100, v0  }
0x14: {  	v1 =	vsel vm12, $0x101, v1;
	v2 =	vsel vm12, $0x102, v2;
	v3 =	vsel vm12, $0x103, v3  }
0x15: {  	v8 =	vsel vm12, $0x108, v8;
	v9 =	vsel vm12, $0x109, v9;
	v12 =	vsel vm12, $0x10B, v12  }
0x16: {  	v13 =	vsel vm12, $0x10C, v13;
	v14 =	vsel vm12, $0x10D, v14;
	v15 =	vsel vm12, $0x10E, v15  }
0x17: {  	v16 =	vsel vm12, $0x10F, v16;
	v0 =	vsel vm11, $0x180, v0;
	v1 =	vsel vm11, $0x181, v1  }
0x18: {  	v2 =	vsel vm11, $0x182, v2;
	v3 =	vsel vm11, $0x183, v3;
	v8 =	vsel vm11, $0x188, v8  }
0x19: {  	v9 =	vsel vm11, $0x189, v9;
	v12 =	vsel vm11, $0x18B, v12;
	v13 =	vsel vm11, $0x18C, v13  }
0x1a: {  	v14 =	vsel vm11, $0x18D, v14;
	v15 =	vsel vm11, $0x18E, v15;
	v16 =	vsel vm11, $0x18F, v16  }
0x1b: {  	v0 =	vsel vm10, $0x200, v0;
	v1 =	vsel vm10, $0x201, v1;
	v2 =	vsel vm10, $0x202, v2  }
0x1c: {  	v3 =	vsel vm10, $0x203, v3;
	v8 =	vsel vm10, $0x208, v8;
	v9 =	vsel vm10, $0x209, v9  }
0x1d: {  	v12 =	vsel vm10, $0x20B, v12;
	v13 =	vsel vm10, $0x20C, v13;
	v14 =	vsel vm10, $0x20D, v14  }
0x1e: {  	v15 =	vsel vm10, $0x20E, v15;
	v16 =	vsel vm10, $0x20F, v16;
	v0 =	vsel vm9, $0x280, v0  }
0x1f: {  	v1 =	vsel vm9, $0x281, v1;
	v2 =	vsel vm9, $0x282, v2;
	v3 =	vsel vm9, $0x283, v3  }
0x20: {  	v8 =	vsel vm9, $0x288, v8;
	v9 =	vsel vm9, $0x289, v9;
	v12 =	vsel vm9, $0x28B, v12  }
0x21: {  	v13 =	vsel vm9, $0x28C, v13;
	v14 =	vsel vm9, $0x28D, v14;
	v15 =	vsel vm9, $0x28E, v15  }
0x22: {  	v16 =	vsel vm9, $0x28F, v16;
	v0 =	vsel vm8, $0x300, v0;
	v1 =	vsel vm8, $0x301, v1  }
0x23: {  	v2 =	vsel vm8, $0x302, v2;
	v3 =	vsel vm8, $0x303, v3;
	v8 =	vsel vm8, $0x308, v8  }
0x24: {  	v9 =	vsel vm8, $0x309, v9;
	v12 =	vsel vm8, $0x30B, v12;
	v13 =	vsel vm8, $0x30C, v13  }
0x25: {  	v14 =	vsel vm8, $0x30D, v14;
	v15 =	vsel vm8, $0x30E, v15;
	v16 =	vsel vm8, $0x30F, v16  }
0x26: {  	s3 =	rddreg [dreg:$0x0];
	s0 =	stileid.u32;
	v0 =	vsel vm7, $0x380, v0;
	v1 =	vsel vm7, $0x381, v1;
	v2 =	vsel vm7, $0x382, v2  }
0x27: {  	s4 =	rddreg [dreg:$0x1];
	s2 =	simm.s32 $0x0;
	s5 =	sshll.u32 s0, $0x7;
	v3 =	vsel vm7, $0x383, v3;
	v8 =	vsel vm7, $0x388, v8;
	v9 =	vsel vm7, $0x389, v9  }
0x28: {  	[smem:$0x7FF] =	sst s2;
	s3 =	sadd.s32 s5, s3;
	v12 =	vsel vm7, $0x38B, v12;
	v13 =	vsel vm7, $0x38C, v13;
	v0 =	vsel vm6, $0x10, v0  }
0x29: {  	s1 =	rddreg [dreg:$0x2];
	_ =	strace $0x80000047;
	s5 =	sadd.s32 $0x400, s3;
	v14 =	vsel vm7, $0x38D, v14;
	v1 =	vsel vm6, $0x11, v1;
	v0 =	vsel vm5, $0x90, v0  }
0x2a: {  	[tilespmem:s2], [sflag:$0x1] =	stream.linear.gather [hbm4b:s5+s2], $0x400, $0x38;
	v2 =	vsel vm6, $0x12, v2;
	v1 =	vsel vm5, $0x91, v1;
	v0 =	vsel vm4, $0x110, v0;
	[tilespmem:$0x500] =	vst v63  }
0x2b: {  	s26 =	simm.s32 $0x400;
	s28 =	simm.s32 $0x1;
	s25 =	sadd.s32 s4, s0;
	v2 =	vsel vm5, $0x92, v2;
	v1 =	vsel vm4, $0x111, v1;
	v0 =	vsel vm3, $0x190, v0  }
0x2c: {  	[tilespmem:s26], [sflag:$0x2] =	stream.linear.gather [hbm4b:s25+s2], $0x8, $0x38;
	v2 =	vsel vm4, $0x112, v2;
	v1 =	vsel vm3, $0x191, v1;
	v0 =	vsel vm2, $0x210, v0;
	[tilespmem:$0x500] =	vst v63  }
0x2d: {  	_ =	swait.ge [sflag:s28], $0x400;
	v2 =	vsel vm3, $0x192, v2;
	v1 =	vsel vm2, $0x211, v1;
	v0 =	vsel vm1, $0x290, v0  }
0x2e: {  	[sflag:s28] =	ssyncset.done $0x0;
	v4 =	vsel vm2, $0x212, v2;
	v1 =	vsel vm1, $0x291, v1;
	v0 =	vsel vm0, $0x310, v0  }
0x2f: {  	s29 =	simm.s32 $0x2;
	v15 =	vsel vm7, $0x38E, v15;
	[sflag:s28] =	ssyncadd.s32 $0xFFFFFC00;
	v61 =	vsel vm1, $0x292, v4;
	v60 =	vsel vm0, $0x311, v1  }
0x30: {  	v16 =	vsel vm7, $0x38F, v16;
	v3 =	vsel vm6, $0x13, v3;
	_ =	swait.ge [sflag:s29], $0x8;
	v63 =	vsel vm0, $0x312, v61  }
0x31: {  	v8 =	vsel vm6, $0x18, v8;
	v9 =	vsel vm6, $0x19, v9;
	v12 =	vsel vm6, $0x1B, v12;
	[sflag:s29] =	ssyncset.done $0x0  }
0x32: {  	v13 =	vsel vm6, $0x1C, v13;
	v14 =	vsel vm6, $0x1D, v14;
	v15 =	vsel vm6, $0x1E, v15;
	[sflag:s29] =	ssyncadd.s32 $0xFFFFFFF8  }
0x33: {  	v16 =	vsel vm6, $0x1F, v16;
	v3 =	vsel vm5, $0x93, v3;
	v8 =	vsel vm5, $0x98, v8;
	v22 =	vld.idx.msk [tilespmem:v0+s2+$0x0], $0xffff  }
0x34: {  	v9 =	vsel vm5, $0x99, v9;
	v12 =	vsel vm5, $0x9B, v12;
	v13 =	vsel vm5, $0x9C, v13;
	v5 =	vld.idx.msk [tilespmem:v60+s2+$0x0], $0xffff  }
0x35: {  	v14 =	vsel vm5, $0x9D, v14;
	v15 =	vsel vm5, $0x9E, v15;
	v16 =	vsel vm5, $0x9F, v16;
	v6 =	vld.idx.msk [tilespmem:v63+s2+$0x0], $0xffff  }
0x36: {  	v3 =	vsel vm4, $0x113, v3;
	v8 =	vsel vm4, $0x118, v8;
	v9 =	vsel vm4, $0x119, v9  }
0x37: {  	v12 =	vsel vm4, $0x11B, v12;
	v13 =	vsel vm4, $0x11C, v13;
	v14 =	vsel vm4, $0x11D, v14  }
0x38: {  	v15 =	vsel vm4, $0x11E, v15;
	v16 =	vsel vm4, $0x11F, v16;
	v3 =	vsel vm3, $0x193, v3  }
0x39: {  	v11 =	vsel vm3, $0x199, v9;
	v62 =	vsel vm2, $0x213, v3;
	v4 =	vadd.s32 v22, v5  }
0x3a: {  	v21 =	vsel vm1, $0x293, v62;
	v4 =	vadd.s32 v6, v4;
	v6 =	vsel vm14, $0x6, v26  }
0x3b: {  	v11 =	vsel vm2, $0x219, v11;
	v1 =	vsel vm0, $0x313, v21;
	v6 =	vsel vm13, $0x86, v6  }
0x3c: {  	v34 =	vsel vm1, $0x299, v11;
	v11 =	vsel vm14, $0xA, v35;
	v6 =	vsel vm12, $0x106, v6  }
0x3d: {  	v8 =	vsel vm3, $0x198, v8;
	v11 =	vsel vm13, $0x8A, v11;
	v6 =	vsel vm11, $0x186, v6  }
0x3e: {  	v12 =	vsel vm3, $0x19B, v12;
	v11 =	vsel vm12, $0x10A, v11;
	v6 =	vsel vm10, $0x206, v6  }
0x3f: {  	v13 =	vsel vm3, $0x19C, v13;
	v11 =	vsel vm11, $0x18A, v11;
	v6 =	vsel vm9, $0x286, v6  }
0x40: {  	v14 =	vsel vm3, $0x19D, v14;
	v11 =	vsel vm10, $0x20A, v11;
	v7 =	vld.idx.msk [tilespmem:v1+s2+$0x0], $0xffff;
	v6 =	vsel vm8, $0x306, v6  }
0x41: {  	v15 =	vsel vm3, $0x19E, v15;
	v11 =	vsel vm9, $0x28A, v11;
	v6 =	vsel vm7, $0x386, v6  }
0x42: {  	v8 =	vsel vm2, $0x218, v8;
	v11 =	vsel vm8, $0x30A, v11;
	v6 =	vsel vm6, $0x16, v6  }
0x43: {  	v11 =	vsel vm7, $0x38A, v11;
	v5 =	vsel vm14, $0x5, v25;
	v6 =	vsel vm5, $0x96, v6  }
0x44: {  	v11 =	vsel vm6, $0x1A, v11;
	v5 =	vsel vm13, $0x85, v5;
	v6 =	vsel vm4, $0x116, v6  }
0x45: {  	v10 =	vadd.s32 v7, v4;
	v4 =	vsel vm13, $0x84, v24;
	v27 =	vsel vm3, $0x196, v6  }
0x46: {  	v5 =	vsel vm12, $0x105, v5;
	v4 =	vsel vm12, $0x104, v4;
	v7 =	vsel vm2, $0x216, v27  }
0x47: {  	v4 =	vsel vm11, $0x184, v4;
	v30 =	vsel vm1, $0x296, v7;
	v7 =	vsel vm14, $0x7, v31  }
0x48: {  	v5 =	vsel vm11, $0x185, v5;
	v4 =	vsel vm10, $0x204, v4;
	v7 =	vsel vm13, $0x87, v7  }
0x49: {  	v5 =	vsel vm10, $0x205, v5;
	v4 =	vsel vm9, $0x284, v4;
	v7 =	vsel vm12, $0x107, v7  }
0x4a: {  	v5 =	vsel vm9, $0x285, v5;
	v4 =	vsel vm8, $0x304, v4;
	v7 =	vsel vm11, $0x187, v7  }
0x4b: {  	v5 =	vsel vm8, $0x305, v5;
	v4 =	vsel vm7, $0x384, v4;
	v7 =	vsel vm10, $0x207, v7  }
0x4c: {  	v5 =	vsel vm7, $0x385, v5;
	v4 =	vsel vm6, $0x14, v4;
	v7 =	vsel vm9, $0x287, v7  }
0x4d: {  	v5 =	vsel vm6, $0x15, v5;
	v4 =	vsel vm5, $0x94, v4;
	v7 =	vsel vm8, $0x307, v7  }
0x4e: {  	v5 =	vsel vm5, $0x95, v5;
	v4 =	vsel vm4, $0x114, v4;
	v7 =	vsel vm7, $0x387, v7  }
0x4f: {  	v5 =	vsel vm4, $0x115, v5;
	v4 =	vsel vm3, $0x194, v4;
	v7 =	vsel vm6, $0x17, v7  }
0x50: {  	v5 =	vsel vm3, $0x195, v5;
	v4 =	vsel vm2, $0x214, v4;
	v7 =	vsel vm5, $0x97, v7  }
0x51: {  	v5 =	vsel vm2, $0x215, v5;
	v4 =	vsel vm1, $0x294, v4;
	v7 =	vsel vm4, $0x117, v7  }
0x52: {  	v29 =	vsel vm1, $0x295, v5;
	v28 =	vsel vm0, $0x314, v4;
	v7 =	vsel vm3, $0x197, v7  }
0x53: {  	v11 =	vsel vm5, $0x9A, v11;
	v5 =	vsel vm0, $0x315, v29;
	v7 =	vsel vm2, $0x217, v7  }
0x54: {  	v11 =	vsel vm4, $0x11A, v11;
	v4 =	vsel vm0, $0x316, v30;
	v7 =	vsel vm1, $0x297, v7  }
0x55: {  	v33 =	vsel vm1, $0x298, v8;
	v11 =	vsel vm3, $0x19A, v11;
	v32 =	vsel vm0, $0x317, v7  }
0x56: {  	v16 =	vsel vm3, $0x19F, v16;
	v8 =	vsel vm0, $0x318, v33;
	v11 =	vsel vm2, $0x21A, v11  }
0x57: {  	v12 =	vsel vm2, $0x21B, v12;
	v11 =	vsel vm1, $0x29A, v11;
	v17 =	vld.idx.msk [tilespmem:v28+s2+$0x0], $0xffff;
	v7 =	vsel vm0, $0x319, v34  }
0x58: {  	v13 =	vsel vm2, $0x21C, v13;
	v12 =	vsel vm1, $0x29B, v12;
	v11 =	vsel vm0, $0x31A, v11;
	v18 =	vld.idx.msk [tilespmem:v5+s2+$0x0], $0xffff  }
0x59: {  	v14 =	vsel vm2, $0x21D, v14;
	v13 =	vsel vm1, $0x29C, v13;
	v12 =	vsel vm0, $0x31B, v12;
	v19 =	vld.idx.msk [tilespmem:v4+s2+$0x0], $0xffff  }
0x5a: {  	v15 =	vsel vm2, $0x21E, v15;
	v14 =	vsel vm1, $0x29D, v14;
	v13 =	vsel vm0, $0x31C, v13;
	v20 =	vld.idx.msk [tilespmem:v32+s2+$0x0], $0xffff  }
0x5b: {  	v16 =	vsel vm2, $0x21F, v16;
	v15 =	vsel vm1, $0x29E, v15;
	v14 =	vsel vm0, $0x31D, v14;
	v21 =	vld.idx.msk [tilespmem:v8+s2+$0x0], $0xffff  }
0x5c: {  	v16 =	vsel vm1, $0x29F, v16;
	v15 =	vsel vm0, $0x31E, v15;
	v10 =	vadd.s32 v17, v10;
	v36 =	vld.idx.msk [tilespmem:v7+s2+$0x0], $0xffff  }
0x5d: {  	v16 =	vsel vm0, $0x31F, v16;
	v22 =	vimm.s32 $0xFEDCBA98;
	v37 =	vld.idx.msk [tilespmem:v11+s2+$0x0], $0xffff;
	v10 =	vadd.s32 v18, v10  }
0x5e: {  	v23 =	vimm.s32 $0x76543210;
	v38 =	vld.idx.msk [tilespmem:v12+s2+$0x0], $0xffff;
	v22 =	vunpack.c.l.s4.s8 v22;
	v10 =	vadd.s32 v19, v10  }
0x5f: {  	v23 =	vunpack.c.l.s4.s8 v23;
	v39 =	vld.idx.msk [tilespmem:v13+s2+$0x0], $0xffff;
	v10 =	vadd.s32 v20, v10  }
0x60: {  	v40 =	vld.idx.msk [tilespmem:v14+s2+$0x0], $0xffff;
	v22 =	vunpack.c.0.s8.s32 v22;
	v10 =	vadd.s32 v21, v10  }
0x61: {  	v23 =	vunpack.c.0.s8.s32 v23;
	v41 =	vld.idx.msk [tilespmem:v15+s2+$0x0], $0xffff;
	v10 =	vadd.s32 v36, v10  }
0x62: {  	v42 =	vld.idx.msk [tilespmem:v16+s2+$0x0], $0xffff;
	v24 =	vlaneseq.u32;
	v22 =	vand.u32 $0xF, v22;
	v10 =	vadd.s32 v37, v10  }
0x63: {  	v25 =	vand.u32 $0x7, v24;
	v43 =	vcombine.low v22, v23;
	v10 =	vadd.s32 v38, v10  }
0x64: {  	v10 =	vadd.s32 v39, v10  }
0x65: {  	v10 =	vadd.s32 v40, v10  }
0x66: {  	v10 =	vadd.s32 v41, v10  }
0x67: {  	v10 =	vadd.s32 v42, v10  }
0x68: {  	s30 =	simm.s32 $0x480;
	v44 =	vld.idx.msk [tilespmem:v25+s26+$0x0], $0xffff;
	[tilespmem:$0x480] =	vst v10  }
0x69: {  	v45 =	vld.idx.msk [tilespmem:v43+s30+$0x0], $0xffff  }
0x6a: {  	v46 =	vshrl.u32 v24, $0x3  }
0x6b: {  	v18 =	vmul.u32 $0x10, v46  }
0x6c: {  	v48 =	vimm.s32 $0x0  }
0x6d: {  	v47 =	vor.u32 $0x1, v18;
	v49 =	vor.u32 $0x2, v18;
	v50 =	vor.u32 $0x3, v18  }
0x6e: {  	v51 =	vor.u32 $0x4, v18;
	v52 =	vor.u32 $0x5, v18;
	v10 =	vadd.s32 v45, v10  }
0x6f: {  	v53 =	vor.u32 $0x6, v18;
	v54 =	vor.u32 $0x7, v18;
	v10 =	vsub.s32 v44, v10  }
0x70: {  	v55 =	vor.u32 $0x8, v18;
	v56 =	vor.u32 $0x9, v18;
	v10 =	vadd.s32 $0x2F, v10  }
0x71: {  	v57 =	vor.u32 $0xA, v18;
	v58 =	vor.u32 $0xB, v18;
	v10 =	vand.u32 $0xFFFFFFF0, v10  }
0x72: {  	v59 =	vor.u32 $0xC, v18;
	v61 =	vor.u32 $0xE, v18;
	v10 =	vsub.s32 v10, v44  }
0x73: {  	v62 =	vor.u32 $0xF, v18;
	v17 =	vadd.s32 $0xFFFFFFF0, v10;
	vm8 =	vgt.s32 v10, v18  }
0x74: {  	vm9 =	vgt.s32 v10, v47;
	vm11 =	vgt.s32 v10, v49;
	vm7 =	vlt.s32 v17, v47  }
0x75: {  	vm13 =	vgt.s32 v10, v50;
	vm10 =	vlt.s32 v17, v49;
	vm0 =	vmand vm7, vm8  }
0x76: {  	vm4 =	vgt.s32 v10, v51;
	vm12 =	vlt.s32 v17, v50;
	vm1 =	vmand vm10, vm9  }
0x77: {  	vm6 =	vgt.s32 v10, v52;
	vm14 =	vlt.s32 v17, v51;
	vm2 =	vmand vm12, vm11  }
0x78: {  	vm5 =	vlt.s32 v17, v52;
	vm15 =	vlt.s32 v17, v53;
	vm3 =	vmand vm14, vm13  }
0x79: {  	vm12 =	vgt.s32 v10, v53;
	vm13 =	vlt.s32 v17, v54;
	vm4 =	vmand vm5, vm4  }
0x7a: {  	vm14 =	vgt.s32 v10, v54;
	vm5 =	vmand vm15, vm6;
	vm15 =	vlt.s32 v17, v55  }
0x7b: {  	vm10 =	vlt.s32 v17, v56;
	vm11 =	vgt.s32 v10, v55;
	[tilespmem:v0+s2+$0x0] =	vst.idx.msk vm0, v48;
	vm0 =	vmand vm13, vm12  }
0x7c: {  	vm6 =	vmand vm15, vm14;
	vm14 =	vlt.s32 v17, v58;
	vm15 =	vgt.s32 v10, v57;
	[tilespmem:v60+s2+$0x0] =	vst.idx.msk vm1, v48  }
0x7d: {  	vm12 =	vlt.s32 v17, v57;
	vm13 =	vgt.s32 v10, v56;
	vm1 =	vmand vm10, vm11;
	[tilespmem:v63+s2+$0x0] =	vst.idx.msk vm2, v48  }
0x7e: {  	vm10 =	vlt.s32 v17, v59;
	v60 =	vor.u32 $0xD, v18;
	vm2 =	vmand vm12, vm13;
	[tilespmem:v1+s2+$0x0] =	vst.idx.msk vm3, v48  }
0x7f: {  	vm11 =	vgt.s32 v10, v58;
	vm12 =	vlt.s32 v17, v60;
	vm3 =	vmand vm14, vm15;
	[tilespmem:v28+s2+$0x0] =	vst.idx.msk vm4, v48  }
0x80: {  	vm13 =	vgt.s32 v10, v59;
	v63 =	vadd.s32 $0x10, v18;
	vm4 =	vmand vm10, vm11;
	[tilespmem:v5+s2+$0x0] =	vst.idx.msk vm5, v48  }
0x81: {  	vm14 =	vlt.s32 v17, v61;
	vm15 =	vgt.s32 v10, v60;
	[tilespmem:v4+s2+$0x0] =	vst.idx.msk vm0, v48;
	vm0 =	vmand vm12, vm13  }
0x82: {  	vm9 =	vmand vm14, vm15;
	vm10 =	vlt.s32 v17, v62;
	vm11 =	vgt.s32 v10, v61;
	[tilespmem:v32+s2+$0x0] =	vst.idx.msk vm6, v48  }
0x83: {  	vm14 =	vgt.s32 v10, v62;
	vm12 =	vmand vm10, vm11;
	vm13 =	vlt.s32 v17, v63;
	[tilespmem:v8+s2+$0x0] =	vst.idx.msk vm1, v48  }
0x84: {  	vm15 =	vmand vm13, vm14;
	[tilespmem:v7+s2+$0x0] =	vst.idx.msk vm2, v48  }
0x85: {  	[tilespmem:v11+s2+$0x0] =	vst.idx.msk vm3, v48  }
0x86: {  	[tilespmem:v12+s2+$0x0] =	vst.idx.msk vm4, v48  }
0x87: {  	[tilespmem:v13+s2+$0x0] =	vst.idx.msk vm0, v48  }
0x88: {  	[tilespmem:v14+s2+$0x0] =	vst.idx.msk vm9, v48  }
0x89: {  	[tilespmem:v15+s2+$0x0] =	vst.idx.msk vm12, v48  }
0x8a: {  	s31 =	simm.s32 $0x3;
	s3 =	sadd.s32 $0xC00, s3;
	[tilespmem:v16+s2+$0x0] =	vst.idx.msk vm15, v48  }
0x8b: {  	[hbm4b:s3+s2] =	stream.linear.scatter [tilespmem:s2], [sflag:$0x3], $0x400, $0x38;
	[tilespmem:$0x500] =	vst v63  }
0x8c: {  	_ =	swait.ge [sflag:s31], $0x400  }
0x8d: {  	[sflag:s31] =	ssyncset.done $0x0  }
0x8e: {  	[sflag:s31] =	ssyncadd.s32 $0xFFFFFC00  }
0x8f: {  	_ =	sfence.sel $0x180000  }
0x90: {  	[bflag:$0x0] =	sbarrier.arrive $0xFFFF  }
0x91: {  	p0 =	sne.s32 s0, $0x0;
	_ =	strace $0x90000047  }
0x92: {  	s0 =	sadd.s32 @!p0 $0x100000, s1;
	[bflag:$0x2] =	sbarrier.arrive $0xFFFF  }
0x93: {  	[sflag:s0] =	ssyncadd.tile.s32 @!p0 $0x1;
	_ =	shalt  }
.Lfunc_end2:
_tile_overlayer_lowered:
.L_overlay_start_2:
0x94: {  	(tag) =	ssettag $0x2  }
0x95: {  	s0 =	rddreg [dreg:$0x0];
	s2 =	stileid.u32  }
0x96: {  	s1 =	rddreg [dreg:$0x1];
	p0 =	sne.s32 s2, $0x0  }
0x97: {  	s3 =	rddreg [dreg:$0x2];
	[bflag:$0x3] =	sbarrier.arrive $0xFFFF;
	s2 =	simm.s32 @!p0 $0x1C03  }
0x98: {  	[timem:s3], [sflag:s2] =	dma.local @!p0 [hbm:s0], s1  }
0x99: {  	s0 =	simm.s32 @!p0 $0x3  }
0x9a: {  	_ =	swait.ge @!p0 [sflag:s0], s1  }
0x9b: {  	s1 =	ssub.s32 @!p0 $0x0, s1;
	[sflag:s0] =	ssyncset.done @!p0 $0x0  }
0x9c: {  	[sflag:s0] =	ssyncadd.s32 @!p0 s1  }
0x9d: {  	[bflag:$0x3] =	sbarrier.arrive $0xFFFF  }
0x9e: {  	_ =	shalt  }

</sc_bundles>
